<compile_context>
chip_gen: v7x
topology: tpu7x:2x2x1
jax: 0.10.2.dev20260603
libtpu: 0.0.44.dev20260713+nightly
codegen_flags: <defaults>
</compile_context>

<pallas_src>
import functools

import jax
import jax.numpy as jnp
from jax import lax
from jax.experimental import pallas as pl
from jax.experimental.pallas import tpu as pltpu
from jax.experimental.pallas import tpu_sc as plsc

B, D, T, K = 32, 64, 1024, 1024
BB = 2
TT = BB * T


def _vq_tc_body(x_ref, emb_ref, embm2_ref, dig_ref, idx_ref, loss_ref):
    b = pl.program_id(0)
    xb = jnp.concatenate([x_ref[i] for i in range(BB)], axis=1)
    emb = emb_ref[...]
    e2 = jnp.sum(emb * emb, axis=1)
    x2 = jnp.sum(xb * xb, axis=0)
    m2 = lax.dot_general(embm2_ref[...], xb, (((1,), (0,)), ((), ())),
                         preferred_element_type=jnp.float32)
    dist = (x2[None, :] + e2[:, None]) + m2
    minv = jnp.min(dist, axis=0)
    onehot = jnp.where(dist == minv[None, :], 1.0, 0.0)

    mom = lax.dot_general(dig_ref[...], onehot, (((0,), (0,)), ((), ())),
                          preferred_element_type=jnp.float32)
    cnt = mom[0]
    s1 = mom[1] * 256.0 + mom[2]
    s2 = (mom[3] * 65536.0 + mom[4] * 256.0) + mom[5]
    k1 = (s1 - jnp.sqrt(cnt * s2 - s1 * s1)) / cnt
    idx_ref[...] = k1.astype(jnp.int32).reshape(BB, 1, T)

    part = jnp.sum(minv)

    @pl.when(b == 0)
    def _():
        loss_ref[0, 0] = part

    @pl.when(b > 0)
    def _():
        loss_ref[0, 0] += part

    @pl.when(b == (B // BB) - 1)
    def _():
        loss_ref[0, 0] = loss_ref[0, 0] * (2.0 / (B * T * D))


_TCH = 512
_NTC = T // _TCH
_G16 = _TCH // 16

_sc_mesh = plsc.VectorSubcoreMesh(core_axis_name="c", subcore_axis_name="s")


@functools.partial(
    pl.kernel, mesh=_sc_mesh,
    compiler_params=pltpu.CompilerParams(needs_layout_passes=False),
    out_type=jax.ShapeDtypeStruct((B, D, T), jnp.float32),
    scratch_types=[
        pltpu.VMEM((K * D,), jnp.float32),
        pltpu.VMEM((T,), jnp.int32),
        pltpu.VMEM((D, _TCH), jnp.float32),
    ],
)
def _vq_sc_gather(embt_hbm, idx_hbm, out_hbm, emb_v, idx_v, out_v):
    nc = jax.lax.axis_size("c")
    wid = lax.axis_index("s") * nc + lax.axis_index("c")
    pltpu.sync_copy(idx_hbm.at[wid], idx_v)
    zz = idx_v[pl.ds(0, 16)].astype(jnp.float32)
    out_v[0, pl.ds(0, 16)] = zz
    for c in range(_NTC):
        pltpu.sync_copy(out_v, out_hbm.at[wid, :, pl.ds(c * _TCH, _TCH)])


@jax.jit
def kernel(x, embedding):
    embm2 = embedding * (-2.0)
    kv = lax.iota(jnp.int32, K)
    ksq = kv * kv
    digits = jnp.stack(
        [jnp.ones((K,), jnp.int32), kv // 256, kv % 256,
         ksq // 65536, (ksq % 65536) // 256, ksq % 256],
        axis=1).astype(jnp.float32)
    idx3, loss = pl.pallas_call(
        _vq_tc_body,
        grid=(B // BB,),
        in_specs=[
            pl.BlockSpec((BB, D, T), lambda b: (b, 0, 0)),
            pl.BlockSpec((K, D), lambda b: (0, 0)),
            pl.BlockSpec((K, D), lambda b: (0, 0)),
            pl.BlockSpec((K, 6), lambda b: (0, 0)),
        ],
        out_specs=[
            pl.BlockSpec((BB, 1, T), lambda b: (b, 0, 0)),
            pl.BlockSpec(memory_space=pltpu.SMEM, block_shape=(1, 1),
                         index_map=lambda b: (0, 0)),
        ],
        out_shape=[
            jax.ShapeDtypeStruct((B, 1, T), jnp.int32),
            jax.ShapeDtypeStruct((1, 1), jnp.float32),
        ],
    )(x, embedding, embm2, digits)
    idx = idx3.reshape(B, T)
    values = _vq_sc_gather(embedding.T.reshape(D * K), idx)
    return values, idx, loss[0, 0]

# --- scband reference (transcript-rebuilt; emitter-appended) ---
"""Pipeline reference for scband-vq-24670292148591 (READ-ONLY COPY).

The authoritative reference and input builder live on the scoring server;
editing this copy changes nothing except your own understanding.
"""

import jax, jax.numpy as jnp
import numpy as np

CODEBOOK_SIZE = 1024
CODEWORD_SIZE = 64

def setup_inputs(seed: int = 0) -> dict:
    key = jax.random.key(seed)
    k1, k2 = jax.random.split(key)
    x = jax.random.normal(k1, (32, CODEWORD_SIZE, 1024), dtype=jnp.float32)
    embedding = jax.random.normal(k2, (CODEBOOK_SIZE, CODEWORD_SIZE), dtype=jnp.float32)
    return {"x": x, "embedding": embedding}

def reference(x, embedding):
    # x: [B, D, T] -> [B, T, D]
    xt = jnp.transpose(x, (0, 2, 1))
    # squared L2 distance to every codeword: [B, T, K]
    dist = (jnp.sum(xt ** 2, axis=2, keepdims=True)
            + jnp.sum(embedding ** 2, axis=1)
            - 2.0 * jnp.matmul(xt, embedding.T))
    indexes = jnp.argmin(dist, axis=2)  # [B, T] int
    one_hot = jax.nn.one_hot(indexes, CODEBOOK_SIZE, dtype=jnp.float32)
    values = jnp.matmul(one_hot, embedding)  # [B, T, D]
    loss1 = jnp.mean((jax.lax.stop_gradient(xt) - values) ** 2)
    loss2 = jnp.mean((xt - jax.lax.stop_gradient(values)) ** 2)
    values_out = jnp.transpose(values, (0, 2, 1))  # [B, D, T]
    return (values_out, indexes, loss1 + loss2)

if __name__ == "__main__":
    import jax
    _d = setup_inputs()
    print(jax.jit(kernel)(*tuple(_d.values())))

</pallas_src>

<mosaic_0001>
#map = affine_map<(d0, d1) -> (0)>
#map1 = affine_map<(d0, d1) -> (0, 0)>
#map2 = affine_map<(d0, d1) -> (0, 0, 0)>
module attributes {stable_mosaic.version = 14 : i64} {
  func.func @_vq_sc_gather(%arg0: i32, %arg1: i32, %arg2: memref<65536xf32, #tpu.memory_space<hbm>>, %arg3: memref<32x1024xi32, #tpu.memory_space<hbm>>, %arg4: memref<32x64x1024xf32, #tpu.memory_space<hbm>>, %arg5: memref<65536xf32, #tpu.memory_space<vmem>>, %arg6: memref<1024xi32, #tpu.memory_space<vmem>>, %arg7: memref<64x512xf32, #tpu.memory_space<vmem>>) attributes {dimension_semantics = [#tpu.dimension_semantics<core_parallel>, #tpu.dimension_semantics<subcore_parallel>], iteration_bounds = array<i64: 2, 16>, scalar_prefetch = 0 : i64, scratch_operands = 3 : i64, tpu.core_type = #tpu.core_type<sc_vector_subcore>, window_params = [{transform_indices = #map}, {transform_indices = #map1}, {transform_indices = #map2}]} {
    %mul3A = arith.constant 2 : i32
    %mul3A_0 = arith.muli %arg1, %mul3A : i32
    %add3A = arith.addi %mul3A_0, %arg0 : i32
    "tpu.region"() ({
      %run_scoped3A = tpu.sem_alloc : memref<!tpu.dma_semaphore, #tpu.memory_space<semaphore_mem>>
      %dma_start3A = arith.constant 0 : i32
      %dma_start3A_5 = tpu.memref_slice %arg3[%add3A, %dma_start3A] : memref<32x1024xi32, #tpu.memory_space<hbm>> -> memref<1x1024xi32, #tpu.memory_space<hbm>>
      %dma_start3A_6 = tpu.memref_squeeze %dma_start3A_5 : memref<1x1024xi32, #tpu.memory_space<hbm>> -> memref<1024xi32, #tpu.memory_space<hbm>>
      %dma_start3A_7 = arith.constant 0 : i32
      %dma_start3A_8 = tpu.memref_slice %arg3[%add3A, %dma_start3A_7] : memref<32x1024xi32, #tpu.memory_space<hbm>> -> memref<1x1024xi32, #tpu.memory_space<hbm>>
      %dma_start3A_9 = tpu.memref_squeeze %dma_start3A_8 : memref<1x1024xi32, #tpu.memory_space<hbm>> -> memref<1024xi32, #tpu.memory_space<hbm>>
      tpu.enqueue_dma source(%dma_start3A_9 : memref<1024xi32, #tpu.memory_space<hbm>>) target(%arg6 : memref<1024xi32, #tpu.memory_space<vmem>>) target_semaphore(%run_scoped3A : memref<!tpu.dma_semaphore, #tpu.memory_space<semaphore_mem>>)
      %dma_wait3A = arith.constant 0 : i32
      %dma_wait3A_10 = tpu.memref_slice %arg3[%add3A, %dma_wait3A] : memref<32x1024xi32, #tpu.memory_space<hbm>> -> memref<1x1024xi32, #tpu.memory_space<hbm>>
      %dma_wait3A_11 = tpu.memref_squeeze %dma_wait3A_10 : memref<1x1024xi32, #tpu.memory_space<hbm>> -> memref<1024xi32, #tpu.memory_space<hbm>>
      %dma_wait3A_12 = arith.constant 0 : i32
      %dma_wait3A_13 = tpu.memref_slice %arg3[%add3A, %dma_wait3A_12] : memref<32x1024xi32, #tpu.memory_space<hbm>> -> memref<1x1024xi32, #tpu.memory_space<hbm>>
      %dma_wait3A_14 = tpu.memref_squeeze %dma_wait3A_13 : memref<1x1024xi32, #tpu.memory_space<hbm>> -> memref<1024xi32, #tpu.memory_space<hbm>>
      tpu.wait_dma2 semaphore(%run_scoped3A : memref<!tpu.dma_semaphore, #tpu.memory_space<semaphore_mem>>) src(%dma_wait3A_14 : memref<1024xi32, #tpu.memory_space<hbm>>) dst(%arg6 : memref<1024xi32, #tpu.memory_space<vmem>>)
      tpu.yield
    }) : () -> ()
    %get3A = arith.constant 0 : index
    %get3A_1 = tpu.vector_load %arg6[%get3A] {strides = array<i32>} : memref<1024xi32, #tpu.memory_space<vmem>>, vector<16xi32>,
    %convert_element_type3A = arith.sitofp %get3A_1 : vector<16xi32> to vector<16xf32>
    %swap3A = arith.constant 0 : i32
    %swap3A_2 = arith.index_cast %swap3A : i32 to index
    %swap3A_3 = arith.constant 0 : index
    %swap3A_4 = tpu.vector_load %arg7[%swap3A_2, %swap3A_3] {strides = array<i32>} : memref<64x512xf32, #tpu.memory_space<vmem>>, vector<16xf32>,
    tpu.vector_store %arg7[%swap3A_2, %swap3A_3], %convert_element_type3A {strides = array<i32>} : memref<64x512xf32, #tpu.memory_space<vmem>>, vector<16xf32>,
    "tpu.region"() ({
      %run_scoped3A = tpu.sem_alloc : memref<!tpu.dma_semaphore, #tpu.memory_space<semaphore_mem>>
      %dma_start3A = arith.constant 0 : i32
      %dma_start3A_5 = arith.constant 0 : i32
      %dma_start3A_6 = tpu.memref_slice %arg4[%add3A, %dma_start3A, %dma_start3A_5] : memref<32x64x1024xf32, #tpu.memory_space<hbm>> -> memref<1x64x512xf32, #tpu.memory_space<hbm>>
      %dma_start3A_7 = tpu.memref_squeeze %dma_start3A_6 : memref<1x64x512xf32, #tpu.memory_space<hbm>> -> memref<64x512xf32, #tpu.memory_space<hbm>>
      %dma_start3A_8 = arith.constant 0 : i32
      %dma_start3A_9 = arith.constant 0 : i32
      %dma_start3A_10 = tpu.memref_slice %arg4[%add3A, %dma_start3A_8, %dma_start3A_9] : memref<32x64x1024xf32, #tpu.memory_space<hbm>> -> memref<1x64x512xf32, #tpu.memory_space<hbm>>
      %dma_start3A_11 = tpu.memref_squeeze %dma_start3A_10 : memref<1x64x512xf32, #tpu.memory_space<hbm>> -> memref<64x512xf32, #tpu.memory_space<hbm>>
      tpu.enqueue_dma source(%arg7 : memref<64x512xf32, #tpu.memory_space<vmem>>) target(%dma_start3A_11 : memref<64x512xf32, #tpu.memory_space<hbm>>) target_semaphore(%run_scoped3A : memref<!tpu.dma_semaphore, #tpu.memory_space<semaphore_mem>>)
      %dma_wait3A = arith.constant 0 : i32
      %dma_wait3A_12 = arith.constant 0 : i32
      %dma_wait3A_13 = tpu.memref_slice %arg4[%add3A, %dma_wait3A, %dma_wait3A_12] : memref<32x64x1024xf32, #tpu.memory_space<hbm>> -> memref<1x64x512xf32, #tpu.memory_space<hbm>>
      %dma_wait3A_14 = tpu.memref_squeeze %dma_wait3A_13 : memref<1x64x512xf32, #tpu.memory_space<hbm>> -> memref<64x512xf32, #tpu.memory_space<hbm>>
      %dma_wait3A_15 = arith.constant 0 : i32
      %dma_wait3A_16 = arith.constant 0 : i32
      %dma_wait3A_17 = tpu.memref_slice %arg4[%add3A, %dma_wait3A_15, %dma_wait3A_16] : memref<32x64x1024xf32, #tpu.memory_space<hbm>> -> memref<1x64x512xf32, #tpu.memory_space<hbm>>
      %dma_wait3A_18 = tpu.memref_squeeze %dma_wait3A_17 : memref<1x64x512xf32, #tpu.memory_space<hbm>> -> memref<64x512xf32, #tpu.memory_space<hbm>>
      tpu.wait_dma2 semaphore(%run_scoped3A : memref<!tpu.dma_semaphore, #tpu.memory_space<semaphore_mem>>) src(%arg7 : memref<64x512xf32, #tpu.memory_space<vmem>>) dst(%dma_wait3A_18 : memref<64x512xf32, #tpu.memory_space<hbm>>)
      tpu.yield
    }) : () -> ()
    "tpu.region"() ({
      %run_scoped3A = tpu.sem_alloc : memref<!tpu.dma_semaphore, #tpu.memory_space<semaphore_mem>>
      %dma_start3A = arith.constant 0 : i32
      %dma_start3A_5 = arith.constant 512 : i32
      %dma_start3A_6 = tpu.memref_slice %arg4[%add3A, %dma_start3A, %dma_start3A_5] : memref<32x64x1024xf32, #tpu.memory_space<hbm>> -> memref<1x64x512xf32, #tpu.memory_space<hbm>>
      %dma_start3A_7 = tpu.memref_squeeze %dma_start3A_6 : memref<1x64x512xf32, #tpu.memory_space<hbm>> -> memref<64x512xf32, #tpu.memory_space<hbm>>
      %dma_start3A_8 = arith.constant 0 : i32
      %dma_start3A_9 = arith.constant 512 : i32
      %dma_start3A_10 = tpu.memref_slice %arg4[%add3A, %dma_start3A_8, %dma_start3A_9] : memref<32x64x1024xf32, #tpu.memory_space<hbm>> -> memref<1x64x512xf32, #tpu.memory_space<hbm>>
      %dma_start3A_11 = tpu.memref_squeeze %dma_start3A_10 : memref<1x64x512xf32, #tpu.memory_space<hbm>> -> memref<64x512xf32, #tpu.memory_space<hbm>>
      tpu.enqueue_dma source(%arg7 : memref<64x512xf32, #tpu.memory_space<vmem>>) target(%dma_start3A_11 : memref<64x512xf32, #tpu.memory_space<hbm>>) target_semaphore(%run_scoped3A : memref<!tpu.dma_semaphore, #tpu.memory_space<semaphore_mem>>)
      %dma_wait3A = arith.constant 0 : i32
      %dma_wait3A_12 = arith.constant 512 : i32
      %dma_wait3A_13 = tpu.memref_slice %arg4[%add3A, %dma_wait3A, %dma_wait3A_12] : memref<32x64x1024xf32, #tpu.memory_space<hbm>> -> memref<1x64x512xf32, #tpu.memory_space<hbm>>
      %dma_wait3A_14 = tpu.memref_squeeze %dma_wait3A_13 : memref<1x64x512xf32, #tpu.memory_space<hbm>> -> memref<64x512xf32, #tpu.memory_space<hbm>>
      %dma_wait3A_15 = arith.constant 0 : i32
      %dma_wait3A_16 = arith.constant 512 : i32
      %dma_wait3A_17 = tpu.memref_slice %arg4[%add3A, %dma_wait3A_15, %dma_wait3A_16] : memref<32x64x1024xf32, #tpu.memory_space<hbm>> -> memref<1x64x512xf32, #tpu.memory_space<hbm>>
      %dma_wait3A_18 = tpu.memref_squeeze %dma_wait3A_17 : memref<1x64x512xf32, #tpu.memory_space<hbm>> -> memref<64x512xf32, #tpu.memory_space<hbm>>
      tpu.wait_dma2 semaphore(%run_scoped3A : memref<!tpu.dma_semaphore, #tpu.memory_space<semaphore_mem>>) src(%arg7 : memref<64x512xf32, #tpu.memory_space<vmem>>) dst(%dma_wait3A_18 : memref<64x512xf32, #tpu.memory_space<hbm>>)
      tpu.yield
    }) : () -> ()
    return
  }
}

module attributes {stable_mosaic.version = 14 : i64} {
  func.func @_vq_tc_body(%arg0: i32, %arg1: memref<2x64x1024xf32, #tpu.memory_space<vmem>>, %arg2: memref<1024x64xf32, #tpu.memory_space<vmem>>, %arg3: memref<1024x64xf32, #tpu.memory_space<vmem>>, %arg4: memref<1024x6xf32, #tpu.memory_space<vmem>>, %arg5: memref<2x1x1024xi32, #tpu.memory_space<vmem>>, %arg6: memref<1x1xf32, #tpu.memory_space<smem>>) attributes {dimension_semantics = [#tpu.dimension_semantics<arbitrary>], iteration_bounds = array<i64: 16>, scalar_prefetch = 0 : i64, scratch_operands = 0 : i64, tpu.core_type = #tpu.core_type<tc>, window_params = [{transform_indices = @transform_0, window_bounds = array<i64: 2, 64, 1024>}, {pipeline_mode = #tpu.pipeline_mode<synchronous>, transform_indices = @transform_1, window_bounds = array<i64: 1024, 64>}, {pipeline_mode = #tpu.pipeline_mode<synchronous>, transform_indices = @transform_2, window_bounds = array<i64: 1024, 64>}, {pipeline_mode = #tpu.pipeline_mode<synchronous>, transform_indices = @transform_3, window_bounds = array<i64: 1024, 6>}, {transform_indices = @transform_4, window_bounds = array<i64: 2, 1, 1024>}, {transform_indices = @transform_5, window_bounds = array<i64: 1, 1>}]} {
    %get3A = arith.constant 0 : index
    %get3A_0 = arith.constant 0 : index
    %get3A_1 = arith.constant 0 : index
    %get3A_2 = vector.load %arg1[%get3A, %get3A_0, %get3A_1] : memref<2x64x1024xf32, #tpu.memory_space<vmem>>, vector<1x64x1024xf32>
    %get3A_3 = vector.shape_cast %get3A_2 : vector<1x64x1024xf32> to vector<64x1024xf32>
    %get3A_4 = arith.constant 1 : index
    %get3A_5 = arith.constant 0 : index
    %get3A_6 = arith.constant 0 : index
    %get3A_7 = vector.load %arg1[%get3A_4, %get3A_5, %get3A_6] : memref<2x64x1024xf32, #tpu.memory_space<vmem>>, vector<1x64x1024xf32>
    %get3A_8 = vector.shape_cast %get3A_7 : vector<1x64x1024xf32> to vector<64x1024xf32>
    %concatenate3A = tpu.concatenate %get3A_3, %get3A_8 in 1 : vector<64x1024xf32>, vector<64x1024xf32> -> vector<64x2048xf32>
    %get3A_9 = arith.constant 0 : index
    %get3A_10 = arith.constant 0 : index
    %get3A_11 = vector.load %arg2[%get3A_9, %get3A_10] : memref<1024x64xf32, #tpu.memory_space<vmem>>, vector<1024x64xf32>
    %mul3A = arith.mulf %get3A_11, %get3A_11 : vector<1024x64xf32>
    %reduce_sum3A = arith.constant dense<0.000000e+00> : vector<1024xf32>
    %reduce_sum3A_12 = vector.multi_reduction <add>, %mul3A, %reduce_sum3A [1] : vector<1024x64xf32> to vector<1024xf32>
    %mul3A_13 = arith.mulf %concatenate3A, %concatenate3A : vector<64x2048xf32>
    %reduce_sum3A_14 = arith.constant dense<0.000000e+00> : vector<2048xf32>
    %reduce_sum3A_15 = vector.multi_reduction <add>, %mul3A_13, %reduce_sum3A_14 [0] : vector<64x2048xf32> to vector<2048xf32>
    %get3A_16 = arith.constant 0 : index
    %get3A_17 = arith.constant 0 : index
    %get3A_18 = vector.load %arg3[%get3A_16, %get3A_17] : memref<1024x64xf32, #tpu.memory_space<vmem>>, vector<1024x64xf32>
    %dot_general3A = arith.constant dense<0.000000e+00> : vector<1024x2048xf32>
    %dot_general3A_19 = tpu.matmul %get3A_18, %concatenate3A, %dot_general3A {dimension_numbers = #tpu.dot_dimension_numbers<[1], [0], [0], [1], [0, 0, 1, 1], [], []>, transpose_lhs_hint = false} : vector<1024x64xf32>, vector<64x2048xf32>, vector<1024x2048xf32> -> vector<1024x2048xf32>
    %broadcast_in_dim3A = vector.shape_cast %reduce_sum3A_15 : vector<2048xf32> to vector<1x2048xf32>
    %broadcast_in_dim3A_20 = vector.shape_cast %reduce_sum3A_12 : vector<1024xf32> to vector<1024x1xf32>
    %add3A = vector.broadcast %broadcast_in_dim3A : vector<1x2048xf32> to vector<1024x2048xf32>
    %add3A_21 = vector.broadcast %broadcast_in_dim3A_20 : vector<1024x1xf32> to vector<1024x2048xf32>
    %add3A_22 = arith.addf %add3A, %add3A_21 : vector<1024x2048xf32>
    %add3A_23 = arith.addf %add3A_22, %dot_general3A_19 : vector<1024x2048xf32>
    %reduce_min3A = arith.constant dense<0x7F800000> : vector<2048xf32>
    %reduce_min3A_24 = vector.multi_reduction <minimumf>, %add3A_23, %reduce_min3A [0] : vector<1024x2048xf32> to vector<2048xf32>
    %broadcast_in_dim3A_25 = vector.shape_cast %reduce_min3A_24 : vector<2048xf32> to vector<1x2048xf32>
    %eq3A = vector.broadcast %broadcast_in_dim3A_25 : vector<1x2048xf32> to vector<1024x2048xf32>
    %eq3A_26 = arith.cmpf oeq, %add3A_23, %eq3A : vector<1024x2048xf32>
    %jit3A = arith.constant 1.000000e+00 : f32
    %jit3A_27 = arith.constant 0.000000e+00 : f32
    %broadcast_in_dim3A_28 = vector.broadcast %jit3A : f32 to vector<1024x2048xf32>
    %broadcast_in_dim3A_29 = vector.broadcast %jit3A_27 : f32 to vector<1024x2048xf32>
    %select_n3A = arith.select %eq3A_26, %broadcast_in_dim3A_28, %broadcast_in_dim3A_29 : vector<1024x2048xi1>, vector<1024x2048xf32>
    %get3A_30 = arith.constant 0 : index
    %get3A_31 = arith.constant 0 : index
    %get3A_32 = vector.load %arg4[%get3A_30, %get3A_31] : memref<1024x6xf32, #tpu.memory_space<vmem>>, vector<1024x6xf32>
    %dot_general3A_33 = arith.constant dense<0.000000e+00> : vector<6x2048xf32>
    %dot_general3A_34 = tpu.matmul %get3A_32, %select_n3A, %dot_general3A_33 {dimension_numbers = #tpu.dot_dimension_numbers<[0], [0], [1], [1], [0, 1, 1, 1], [], []>, transpose_lhs_hint = false} : vector<1024x6xf32>, vector<1024x2048xf32>, vector<6x2048xf32> -> vector<6x2048xf32>
    %slice3A = vector.extract_strided_slice %dot_general3A_34 {offsets = [0, 0], sizes = [1, 2048], strides = [1, 1]} : vector<6x2048xf32> to vector<1x2048xf32>
    %squeeze3A = vector.shape_cast %slice3A : vector<1x2048xf32> to vector<2048xf32>
    %slice3A_35 = vector.extract_strided_slice %dot_general3A_34 {offsets = [1, 0], sizes = [1, 2048], strides = [1, 1]} : vector<6x2048xf32> to vector<1x2048xf32>
    %squeeze3A_36 = vector.shape_cast %slice3A_35 : vector<1x2048xf32> to vector<2048xf32>
    %mul3A_37 = arith.constant 2.560000e+02 : f32
    %mul3A_38 = vector.broadcast %mul3A_37 : f32 to vector<2048xf32>
    %mul3A_39 = arith.mulf %squeeze3A_36, %mul3A_38 : vector<2048xf32>
    %slice3A_40 = vector.extract_strided_slice %dot_general3A_34 {offsets = [2, 0], sizes = [1, 2048], strides = [1, 1]} : vector<6x2048xf32> to vector<1x2048xf32>
    %squeeze3A_41 = vector.shape_cast %slice3A_40 : vector<1x2048xf32> to vector<2048xf32>
    %add3A_42 = arith.addf %mul3A_39, %squeeze3A_41 : vector<2048xf32>
    %slice3A_43 = vector.extract_strided_slice %dot_general3A_34 {offsets = [3, 0], sizes = [1, 2048], strides = [1, 1]} : vector<6x2048xf32> to vector<1x2048xf32>
    %squeeze3A_44 = vector.shape_cast %slice3A_43 : vector<1x2048xf32> to vector<2048xf32>
    %mul3A_45 = arith.constant 6.553600e+04 : f32
    %mul3A_46 = vector.broadcast %mul3A_45 : f32 to vector<2048xf32>
    %mul3A_47 = arith.mulf %squeeze3A_44, %mul3A_46 : vector<2048xf32>
    %slice3A_48 = vector.extract_strided_slice %dot_general3A_34 {offsets = [4, 0], sizes = [1, 2048], strides = [1, 1]} : vector<6x2048xf32> to vector<1x2048xf32>
    %squeeze3A_49 = vector.shape_cast %slice3A_48 : vector<1x2048xf32> to vector<2048xf32>
    %mul3A_50 = arith.constant 2.560000e+02 : f32
    %mul3A_51 = vector.broadcast %mul3A_50 : f32 to vector<2048xf32>
    %mul3A_52 = arith.mulf %squeeze3A_49, %mul3A_51 : vector<2048xf32>
    %add3A_53 = arith.addf %mul3A_47, %mul3A_52 : vector<2048xf32>
    %slice3A_54 = vector.extract_strided_slice %dot_general3A_34 {offsets = [5, 0], sizes = [1, 2048], strides = [1, 1]} : vector<6x2048xf32> to vector<1x2048xf32>
    %squeeze3A_55 = vector.shape_cast %slice3A_54 : vector<1x2048xf32> to vector<2048xf32>
    %add3A_56 = arith.addf %add3A_53, %squeeze3A_55 : vector<2048xf32>
    %mul3A_57 = arith.mulf %squeeze3A, %add3A_56 : vector<2048xf32>
    %mul3A_58 = arith.mulf %add3A_42, %add3A_42 : vector<2048xf32>
    %sub3A = arith.subf %mul3A_57, %mul3A_58 : vector<2048xf32>
    %sqrt3A = math.sqrt %sub3A : vector<2048xf32>
    %sub3A_59 = arith.subf %add3A_42, %sqrt3A : vector<2048xf32>
    %div3A = arith.divf %sub3A_59, %squeeze3A : vector<2048xf32>
    %convert_element_type3A = arith.fptosi %div3A : vector<2048xf32> to vector<2048xi32>
    %reshape3A = vector.shape_cast %convert_element_type3A : vector<2048xi32> to vector<2x1x1024xi32>
    %swap3A = arith.constant 0 : index
    %swap3A_60 = arith.constant 0 : index
    %swap3A_61 = arith.constant 0 : index
    %swap3A_62 = vector.load %arg5[%swap3A, %swap3A_60, %swap3A_61] : memref<2x1x1024xi32, #tpu.memory_space<vmem>>, vector<2x1x1024xi32>
    tpu.vector_store %arg5[%swap3A, %swap3A_60, %swap3A_61], %reshape3A {strides = array<i32>} : memref<2x1x1024xi32, #tpu.memory_space<vmem>>, vector<2x1x1024xi32>,
    %reduce_sum3A_63 = vector.shape_cast %reduce_min3A_24 : vector<2048xf32> to vector<1x2048xf32>
    %reduce_sum3A_64 = arith.constant dense<0.000000e+00> : vector<1xf32>
    %reduce_sum3A_65 = vector.multi_reduction <add>, %reduce_sum3A_63, %reduce_sum3A_64 [1] : vector<1x2048xf32> to vector<1xf32>
    %reduce_sum3A_66 = vector.shape_cast %reduce_sum3A_65 : vector<1xf32> to vector<1x1xf32>
    %reduce_sum3A_67 = vector.extract %reduce_sum3A_66[0, 0] : f32 from vector<1x1xf32>
    %eq3A_68 = arith.constant 0 : i32
    %eq3A_69 = arith.cmpi eq, %arg0, %eq3A_68 : i32
    %convert_element_type3A_70 = arith.extui %eq3A_69 : i1 to i32
    %cond3A = arith.constant 0 : i32
    %cond3A_71 = arith.cmpi ne, %convert_element_type3A_70, %cond3A : i32
    scf.if %cond3A_71 {
      %swap3A_81 = arith.constant 0 : index
      %swap3A_82 = arith.constant 0 : index
      %swap3A_83 = memref.load %arg6[%swap3A_81, %swap3A_82] : memref<1x1xf32, #tpu.memory_space<smem>>
      memref.store %reduce_sum3A_67, %arg6[%swap3A_81, %swap3A_82] : memref<1x1xf32, #tpu.memory_space<smem>>
    } else {
    }
    %gt3A = arith.constant 0 : i32
    %gt3A_72 = arith.cmpi sgt, %arg0, %gt3A : i32
    %convert_element_type3A_73 = arith.extui %gt3A_72 : i1 to i32
    %cond3A_74 = arith.constant 0 : i32
    %cond3A_75 = arith.cmpi ne, %convert_element_type3A_73, %cond3A_74 : i32
    scf.if %cond3A_75 {
      %get3A_81 = arith.constant 0 : index
      %get3A_82 = arith.constant 0 : index
      %get3A_83 = memref.load %arg6[%get3A_81, %get3A_82] : memref<1x1xf32, #tpu.memory_space<smem>>
      %add3A_84 = arith.addf %get3A_83, %reduce_sum3A_67 : f32
      %swap3A_85 = arith.constant 0 : index
      %swap3A_86 = arith.constant 0 : index
      %swap3A_87 = memref.load %arg6[%swap3A_85, %swap3A_86] : memref<1x1xf32, #tpu.memory_space<smem>>
      memref.store %add3A_84, %arg6[%swap3A_85, %swap3A_86] : memref<1x1xf32, #tpu.memory_space<smem>>
    } else {
    }
    %eq3A_76 = arith.constant 15 : i32
    %eq3A_77 = arith.cmpi eq, %arg0, %eq3A_76 : i32
    %convert_element_type3A_78 = arith.extui %eq3A_77 : i1 to i32
    %cond3A_79 = arith.constant 0 : i32
    %cond3A_80 = arith.cmpi ne, %convert_element_type3A_78, %cond3A_79 : i32
    scf.if %cond3A_80 {
      %get3A_81 = arith.constant 0 : index
      %get3A_82 = arith.constant 0 : index
      %get3A_83 = memref.load %arg6[%get3A_81, %get3A_82] : memref<1x1xf32, #tpu.memory_space<smem>>
      %mul3A_84 = arith.constant 9.53674316E-7 : f32
      %mul3A_85 = arith.mulf %get3A_83, %mul3A_84 : f32
      %swap3A_86 = arith.constant 0 : index
      %swap3A_87 = arith.constant 0 : index
      %swap3A_88 = memref.load %arg6[%swap3A_86, %swap3A_87] : memref<1x1xf32, #tpu.memory_space<smem>>
      memref.store %mul3A_85, %arg6[%swap3A_86, %swap3A_87] : memref<1x1xf32, #tpu.memory_space<smem>>
    } else {
    }
    return
  }
  func.func @transform_0(%arg0: i32) -> (i32, i32, i32) {
    %c0_i32 = arith.constant 0 : i32
    %c0_i32_0 = arith.constant 0 : i32
    %c0_i32_1 = arith.constant 0 : i32
    return %arg0, %c0_i32, %c0_i32_0 : i32, i32, i32
  }
  func.func @transform_1(%arg0: i32) -> (i32, i32) {
    %c0_i32 = arith.constant 0 : i32
    %c0_i32_0 = arith.constant 0 : i32
    %c0_i32_1 = arith.constant 0 : i32
    return %c0_i32, %c0_i32_0 : i32, i32
  }
  func.func @transform_2(%arg0: i32) -> (i32, i32) {
    %c0_i32 = arith.constant 0 : i32
    %c0_i32_0 = arith.constant 0 : i32
    %c0_i32_1 = arith.constant 0 : i32
    return %c0_i32, %c0_i32_0 : i32, i32
  }
  func.func @transform_3(%arg0: i32) -> (i32, i32) {
    %c0_i32 = arith.constant 0 : i32
    %c0_i32_0 = arith.constant 0 : i32
    %c0_i32_1 = arith.constant 0 : i32
    return %c0_i32, %c0_i32_0 : i32, i32
  }
  func.func @transform_4(%arg0: i32) -> (i32, i32, i32) {
    %c0_i32 = arith.constant 0 : i32
    %c0_i32_0 = arith.constant 0 : i32
    %c0_i32_1 = arith.constant 0 : i32
    return %arg0, %c0_i32, %c0_i32_0 : i32, i32, i32
  }
  func.func @transform_5(%arg0: i32) -> (i32, i32) {
    %c0_i32 = arith.constant 0 : i32
    %c0_i32_0 = arith.constant 0 : i32
    %c0_i32_1 = arith.constant 0 : i32
    return %c0_i32, %c0_i32_0 : i32, i32
  }
}

</mosaic_0001>

<sc_bundles>
// kernel: kernel.4.cloned.1.call-start
scs
__scs_entry_jumppad:
0x0: {  	(pc) =	sbr.rel $0x88, $3  }
0x1: {  	(tag) =	ssettag $0x0;
	lr =	simm.s32 $0x1  }
0x2: {  	[smem:$0x3F9F] =	sst lr;
	_ =	strace $0xD0000000  }
0x3: {  	_ = 	snop  }
0x4: {  	_ = 	snop  }
0x5: {  	_ = 	snop  }
0x6: {  	_ = 	snop  }
0x7: {  	_ = 	snop  }
__scs_overlays_trampoline_lowered:
0x8: {  	[smem:$0x3FAE] =	sst s0  }
0x9: {  	[smem:$0x3FAF] =	sst s1  }
0xa: {  	[smem:$0x3FB0] =	sst s2  }
0xb: {  	[smem:$0x3FB1] =	sst s3  }
0xc: {  	[smem:$0x3FB2] =	sst s4  }
0xd: {  	[smem:$0x3FB3] =	sst s5  }
0xe: {  	[smem:$0x3FB4] =	sst s6  }
0xf: {  	[smem:$0x3FB5] =	sst s7  }
0x10: {  	[smem:$0x3FB6] =	sst s8  }
0x11: {  	[smem:$0x3FB7] =	sst s9;
	s0 =	simm.s32 @!p0 $0x0  }
0x12: {  	s1 =	sld [smem:$0x3F9D];
	s0 =	simm.s32 @p0 $0x1  }
0x13: {  	[smem:$0x3FB8] =	sst s0;
	s0 =	simm.s32 @!p1 $0x0  }
0x14: {  	s2 =	sld [smem:$0x3F9C];
	s0 =	simm.s32 @p1 $0x1  }
0x15: {  	[smem:$0x3FB9] =	sst s0;
	s0 =	simm.s32 @!p2 $0x0  }
0x16: {  	s3 =	sld [smem:$0x3FDB];
	s0 =	simm.s32 @p2 $0x1  }
0x17: {  	s4 =	simm.s32 $0x1BF5;
	[smem:$0x3FBB] =	sst s0  }
0x18: {  	s0 =	sld [smem:$0x3F9E];
	_ =	swait.ge [sflag:s4], $0x0  }
0x19: {  	s7 =	sld [smem:$0x3F9F]  }
0x1a: {  	s8 =	sadd.s32 $0xFFFFE003, lr  }
0x1b: {  	s9 =	sadd.s32 $0xFFFFFEF7, lr;
	s5 =	simm.s32 $0xFFFFFFFF;
	p2 =	slt.u32 s8, $0xFFFFF086  }
0x1c: {  	p1 =	slt.u32 s9, $0xF7A;
	s5 =	simm.s32 @!p2 $0x0  }
0x1d: {  	s5 =	simm.s32 @p1 $0x1;
	p0 =	seq.s32 s7, s2  }
0x1e: {  	s7 =	smul.u32 @!p0 $0xF7A, s2;
	p2 =	seq.s32 @!p0 s5, $0x0  }
0x1f: {  	s9 =	smul.u32 $0xF7A, s1;
	s8 =	simm.s32 @!p0 $0x1BF5;
	p2 =	por !p2, p0  }
0x20: {  	[sflag:s8] =	ssyncset.s32 @!p0 $0xFFFFF086;
	s6 =	sadd.s32 @!p0 s3, s7;
	s7 =	simm.s32 @!p0 $0x108  }
0x21: {  	s3 =	sadd.s32 s3, s9;
	s6 =	sadd.s32 @!p0 $0x88, s6;
	s7 =	simm.s32 @p2 $0x1082  }
0x22: {  	[simem:s7], [sflag:s8] =	dma.local @!p0 [hbm:s6], $0xF7A  }
0x23: {  	s9 =	sor.u32 $0xD0000000, s2;
	s6 =	simm.s32 $0x108;
	_ =	swait.ge @!p0 [sflag:s8], $0x0  }
0x24: {  	s3 =	sadd.s32 $0x88, s3;
	s6 =	simm.s32 @!p1 $0x1082;
	[sflag:s4] =	ssyncset.s32 $0xFFFFF086  }
0x25: {  	[simem:s6], [sflag:s4] =	dma.local [hbm:s3], $0xF7A  }
0x26: {  	[smem:$0x3F9F] =	sst s1;
	(tag) =	ssettag s2;
	_ =	strace s9  }
0x27: {  	s1 =	sld [smem:$0x3FAF]  }
0x28: {  	s2 =	sld [smem:$0x3FB0]  }
0x29: {  	s4 =	sld [smem:$0x3FB2]  }
0x2a: {  	p0 =	seq.s32 s5, $0x0;
	s5 =	sld [smem:$0x3FB3]  }
0x2b: {  	s6 =	sld [smem:$0x3FB4]  }
0x2c: {  	s7 =	sld [smem:$0x3FB5]  }
0x2d: {  	s3 =	simm.s32 $0x108;
	s8 =	sld [smem:$0x3FB6]  }
0x2e: {  	s3 =	simm.s32 @!p0 $0x1082;
	s9 =	sld [smem:$0x3FB7]  }
0x2f: {  	lr =	sadd.s32 s0, s3;
	s0 =	sld [smem:$0x3FAE]  }
0x30: {  	s3 =	sld [smem:$0x3FB1]  }
0x31: {  	[smem:$0x3FBA] =	sst s10  }
0x32: {  	s10 =	sld [smem:$0x3FB8];
	_ =	sdelay $0x3  }
0x33: {  	p0 =	seq.s32 s10, $0x1;
	s10 =	sld [smem:$0x3FBA];
	_ =	sdelay $0x3  }
0x34: {  	[smem:$0x3FBA] =	sst s10  }
0x35: {  	s10 =	sld [smem:$0x3FB9];
	_ =	sdelay $0x3  }
0x36: {  	p1 =	seq.s32 s10, $0x1;
	s10 =	sld [smem:$0x3FBA];
	_ =	sdelay $0x3  }
0x37: {  	[smem:$0x3FBA] =	sst s10  }
0x38: {  	s10 =	sld [smem:$0x3FBB]  }
0x39: {  	_ = 	snop;
	(pc) =	sbr.ind lr, $3  }
0x3a: {  	_ = 	snop  }
0x3b: {  	_ = 	snop  }
0x3c: {  	p2 =	seq.s32 s10, $0x1;
	s10 =	sld [smem:$0x3FBA]  }
0x3d: {  	_ =	shalt  }
0x3e: {  	_ =	shalt  }
0x3f: {  	_ =	shalt  }
0x40: {  	_ =	shalt  }
0x41: {  	_ =	shalt  }
0x42: {  	_ =	shalt  }
0x43: {  	_ =	shalt  }
0x44: {  	_ =	shalt  }
0x45: {  	_ =	shalt  }
0x46: {  	_ =	shalt  }
0x47: {  	_ =	shalt  }
0x48: {  	_ =	shalt  }
0x49: {  	_ =	shalt  }
0x4a: {  	_ =	shalt  }
0x4b: {  	_ =	shalt  }
0x4c: {  	_ =	shalt  }
0x4d: {  	_ =	shalt  }
0x4e: {  	_ =	shalt  }
0x4f: {  	_ =	shalt  }
0x50: {  	_ =	shalt  }
0x51: {  	_ =	shalt  }
0x52: {  	_ =	shalt  }
0x53: {  	_ =	shalt  }
0x54: {  	_ =	shalt  }
0x55: {  	_ =	shalt  }
0x56: {  	_ =	shalt  }
0x57: {  	_ =	shalt  }
0x58: {  	_ =	shalt  }
0x59: {  	_ =	shalt  }
0x5a: {  	_ =	shalt  }
0x5b: {  	_ =	shalt  }
0x5c: {  	_ =	shalt  }
0x5d: {  	_ =	shalt  }
0x5e: {  	_ =	shalt  }
0x5f: {  	_ =	shalt  }
0x60: {  	_ =	shalt  }
0x61: {  	_ =	shalt  }
0x62: {  	_ =	shalt  }
0x63: {  	_ =	shalt  }
0x64: {  	_ =	shalt  }
0x65: {  	_ =	shalt  }
0x66: {  	_ =	shalt  }
0x67: {  	_ =	shalt  }
0x68: {  	_ =	shalt  }
0x69: {  	_ =	shalt  }
0x6a: {  	_ =	shalt  }
0x6b: {  	_ =	shalt  }
0x6c: {  	_ =	shalt  }
0x6d: {  	_ =	shalt  }
0x6e: {  	_ =	shalt  }
0x6f: {  	_ =	shalt  }
0x70: {  	_ =	shalt  }
0x71: {  	_ =	shalt  }
0x72: {  	_ =	shalt  }
0x73: {  	_ =	shalt  }
0x74: {  	_ =	shalt  }
0x75: {  	_ =	shalt  }
0x76: {  	_ =	shalt  }
0x77: {  	_ =	shalt  }
0x78: {  	_ =	shalt  }
0x79: {  	_ =	shalt  }
0x7a: {  	_ =	shalt  }
0x7b: {  	_ =	shalt  }
0x7c: {  	_ =	shalt  }
0x7d: {  	_ =	shalt  }
0x7e: {  	_ =	shalt  }
0x7f: {  	_ =	shalt  }
0x80: {  	_ =	shalt  }
0x81: {  	_ =	shalt  }
0x82: {  	_ =	shalt  }
0x83: {  	_ =	shalt  }
0x84: {  	_ =	shalt  }
0x85: {  	_ =	shalt  }
0x86: {  	_ =	shalt  }
0x87: {  	_ =	shalt  }
.Lfunc_end0:
.L_simem_size_0:
called_computation_lowered:
.L_overlay_start_0:
0x88: {  	s2 =	sld [smem:$0x3FD9]  }
0x89: {  	s3 =	sld [smem:$0x3FFE];
	_ =	sdelay $0x1  }
0x8a: {  	s1 =	srdreg.scid  }
0x8b: {  	s0 =	sand.u32 $0x1, s1  }
0x8c: {  	s15 =	sshll.u32 s0, $0xA;
	s2 =	sadd.s32 s3, s2  }
0x8d: {  	s2 =	sadd.s32 s2, s15  }
0x8e: {  	[smem:$0x3FC6] =	sst s2  }
0x8f: {  	_ = 	snop  }
0x90: {  	s2 =	sld [smem:$0x3FD0];
	_ =	sdelay $0x2  }
0x91: {  	s16 =	simm.s32 $0xA;
	s4 =	simm.s32 $0x10  }
0x92: {  	[smem:s4], [sflag:s16] =	dma.local [hbm:s2], $0x1  }
0x93: {  	_ =	swait.eq [sflag:s16], $0x1  }
0x94: {  	[sflag:s16] =	ssyncset.done $0x0  }
0x95: {  	s17 =	sld [smem:$0x10];
	[sflag:s16] =	ssyncadd.s32 $0xFFFFFFFF  }
0x96: {  	s18 =	sld [smem:$0x11];
	(tm) =	ssettm $0x1  }
0x97: {  	s19 =	sld [smem:$0x3FFB];
	_ =	sdelay $0x3  }
0x98: {  	_ =	strace s19  }
0x99: {  	s4 =	sld [smem:$0x3FFC];
	_ =	sdelay $0x3  }
0x9a: {  	_ =	strace s4  }
0x9b: {  	s4 =	sld [smem:$0x3FFD];
	_ =	sdelay $0x3  }
0x9c: {  	_ =	strace s4  }
0x9d: {  	_ =	strace $0x8FFFFFFF  }
0x9e: {  	s20 =	sld [smem:$0x3FDB];
	_ =	sdelay $0x1  }
0x9f: {  	s5 =	simm.s32 $_scs_section_size  }
0xa0: {  	s6 =	simm.s32 $_size__tile_overlayer_lowered;
	s7 =	simm.s32 $_tile_overlayer_lowered  }
0xa1: {  	s23 =	simm.s32 $0x1BFF;
	s22 =	sshll.u32 s7, $0x1;
	s4 =	sadd.s32 s5, s20  }
0xa2: {  	s8 =	simm.s32 $0x0;
	s21 =	sshll.u32 s6, $0x1;
	s6 =	sadd.s32 s22, s4  }
0xa3: {  	[timem:s8], [sflag:s23] =	dma.local [hbm:s6], s21  }
0xa4: {  	_ =	swait.ge [sflag:s23], s21  }
0xa5: {  	s5 =	ssub.s32 $0x0, s21;
	[sflag:s23] =	ssyncset.done $0x0  }
0xa6: {  	[sflag:s23] =	ssyncadd.s32 s5;
	_ =	sdelay $0x1  }
0xa7: {  	s24 =	simm.s32 $0x1B8B  }
0xa8: {  	_ =	swait.ge [sflag:s24], $0x1  }
0xa9: {  	[sflag:s24] =	ssyncset.done $0x0  }
0xaa: {  	s25 =	simm.s32 $0x1B8E;
	[sflag:s24] =	ssyncadd.s32 $0xFFFFFFFF  }
0xab: {  	s26 =	simm.s32 $execute0_lowered;
	[smem:$0x3FD2] =	sst s25  }
0xac: {  	s5 =	sshll.u32 s26, $0x1;
	_ =	strace $0x80000046;
	[dreg:$0x1] =	wrdreg $0xFFFFFFFF  }
0xad: {  	s28 =	simm.s32 $_size_execute0_lowered;
	s4 =	sadd.s32 s4, s5;
	[dreg:$0x0] =	wrdreg $0x0  }
0xae: {  	s5 =	sshll.u32 s28, $0x1;
	[dreg:$0x2] =	wrdreg s4  }
0xaf: {  	[dreg:$0x3] =	wrdreg s5  }
0xb0: {  	[dreg:$0x4] =	wrdreg $0xC0  }
0xb1: {  	_ =	task [dreg:s8], $0x5FFFF  }
0xb2: {  	[dreg:$0x1] =	wrdreg $0xFFFFFFFF  }
0xb3: {  	[dreg:$0x0] =	wrdreg $0x60  }
0xb4: {  	[dreg:$0x2] =	wrdreg s18  }
0xb5: {  	[dreg:$0x3] =	wrdreg s17  }
0xb6: {  	[dreg:$0x4] =	wrdreg $0x9  }
0xb7: {  	_ =	task.clear_ibuf [dreg:s8], $0x5FFFF;
	_ =	strace $0x90000046  }
0xb8: {  	s29 =	simm.s32 $0x9;
	_ =	strace $0x80000048  }
0xb9: {  	_ =	swait.ge [sflag:s29], $0x1  }
0xba: {  	[sflag:s29] =	ssyncadd.s32 $0xFFFFFFFF  }
0xbb: {  	_ =	strace $0x90000048  }
0xbc: {  	_ =	sfence  }
0xbd: {  	s30 =	sld [smem:$0x0];
	_ =	sdelay $0x2  }
0xbe: {  	s31 =	sshll.u32 s1, $0xD;
	s1 =	sshrl.u32 s1, $0x2  }
0xbf: {  	s3 =	sand.u32 $0x4000, s31;
	s1 =	sadd.s32 s1, s30  }
0xc0: {  	s0 =	sor.u32 s3, s0;
	s1 =	sshll.u32 s1, $0x11  }
0xc1: {  	s0 =	sor.u32 s1, s0  }
0xc2: {  	s0 =	sadd.s32 $0x8F2B, s0  }
0xc3: {  	[sflag:s0] =	ssyncadd.remote.s32 $0x1  }
0xc4: {  	_ =	sfence.sel $0xFFFF  }
0xc5: {  	[dreg:$0x0] =	wrdreg $0xFFFFFFFF;
	(pc) =	sbr.abs _section_cstart, $3  }
0xc6: {  	[dreg:$0x1] =	wrdreg $0xFFFFFFFF  }
0xc7: {  	_ =	task.clear_ibuf [dreg:s8], $0x2FFFF;
	_ =	strace $0x9FFFFFFF  }
0xc8: {  	(tm) =	ssettm $0x7FFFFFFF  }
0xc9: {  	_ =	shalt  }
tec
execute0_lowered:
.L_overlay_start_1:
0x0: {  	(tag) =	ssettag $0x1  }
0x1: {  	s3 =	rddreg [dreg:$0x0];
	s1 =	srdreg.scid  }
0x2: {  	s0 =	stileid.u32;
	s7 =	rddreg [dreg:$0x1];
	s6 =	simm.s32 $0x400  }
0x3: {  	s8 =	sand.u32 $0x1, s1;
	s2 =	sshll.u32 s0, $0x1;
	s1 =	rddreg [dreg:$0x2]  }
0x4: {  	s4 =	sshll.u32 s0, $0x8;
	s9 =	sor.u32 s8, s2;
	s2 =	simm.s32 $0x0  }
0x5: {  	s4 =	sand.u32 $0xC00, s4;
	s5 =	sshll.u32 s9, $0x4;
	[smem:$0x7FF] =	sst s2  }
0x6: {  	s3 =	sadd.s32 s3, s4;
	s4 =	simm.s32 $0x80;
	s5 =	sand.u32 $0x70, s5  }
0x7: {  	_ =	strace $0x80000047;
	s3 =	sadd.s32 s5, s3;
	s5 =	simm.s32 $0x1  }
0x8: {  	[tilespmem:s2], [sflag:$0x1] =	stream.strided.gather [hbm4b:s3+s4], $0x400, s6, s4, $0x38;
	[tilespmem:$0x8400] =	vst v63  }
0x9: {  	_ =	swait.ge [sflag:s5], $0x400  }
0xa: {  	[sflag:s5] =	ssyncset.done $0x0  }
0xb: {  	[sflag:s5] =	ssyncadd.s32 $0xFFFFFC00  }
0xc: {  	v0 =	vld [tilespmem:$0x0];
	_ =	sdelay $0x3  }
0xd: {  	s10 =	ssub.s32 $0x2, s8  }
0xe: {  	s11 =	sshrl.u32 s10, $0x1;
	v0 =	vcvt.s32.f32 v0  }
0xf: {  	s8 =	simm.s32 $0x1000;
	s31 =	sshll.u32 s9, $0xD;
	s11 =	ssub.s32 s10, s11  }
0x10: {  	s9 =	simm.s32 $0x2000;
	s7 =	sadd.s32 s7, s31;
	s11 =	smax.u32 s11, $0x1;
	[tilespmem:$0x400] =	vst v0  }
0x11: {  	[hbm4b:s7+s8] =	stream.strided.scatter [tilespmem:s6], [sflag:$0x1], $0x8000, s9, s8, $0x38;
	[tilespmem:$0x8400] =	vst v63  }
0x12: {  	p0 =	sne.s32 s11, $0x1;
	_ =	swait.ge [sflag:s5], $0x8000  }
.Ltmp0:
0x13: {  	[sflag:s5] =	ssyncset.done $0x0;
	(pc) =	sbr.rel @!p0 .LBB2_2-.Ltmp0, $4  }
0x14: {  	s10 =	sadd.s32 $0x200, s7;
	[sflag:s5] =	ssyncadd.s32 $0xFFFF8000  }
0x15: {  	[hbm4b:s10+s8] =	stream.strided.scatter [tilespmem:s6], [sflag:$0x1], $0x8000, s9, s8, $0x38;
	[tilespmem:$0x8400] =	vst v63  }
0x16: {  	_ =	swait.ge [sflag:s5], $0x8000  }
0x17: {  	s11 =	sadd.s32 $0xFFFFFFFF, s11;
	[sflag:s5] =	ssyncset.done $0x0  }
.LBB2_1:
0x18: {  	p0 =	sne.s32 s11, $0x1;
	s11 =	sadd.s32 $0xFFFFFFFF, s11;
	[sflag:s5] =	ssyncadd.s32 $0xFFFF8000  }
0x19: {  	[tilespmem:s2], [sflag:$0x1] =	stream.strided.gather [hbm4b:s3+s4], $0x400, s6, s4, $0x38;
	[tilespmem:$0x8400] =	vst v63  }
0x1a: {  	_ =	swait.ge [sflag:s5], $0x400  }
0x1b: {  	[sflag:s5] =	ssyncset.done $0x0  }
0x1c: {  	[sflag:s5] =	ssyncadd.s32 $0xFFFFFC00  }
0x1d: {  	v0 =	vld [tilespmem:$0x0];
	_ =	sdelay $0x4  }
0x1e: {  	v0 =	vcvt.s32.f32 v0;
	_ =	sdelay $0x1  }
0x1f: {  	[tilespmem:$0x400] =	vst v0  }
0x20: {  	[hbm4b:s7+s8] =	stream.strided.scatter [tilespmem:s6], [sflag:$0x1], $0x8000, s9, s8, $0x38;
	[tilespmem:$0x8400] =	vst v63  }
0x21: {  	_ =	swait.ge [sflag:s5], $0x8000  }
.Ltmp1:
0x22: {  	[sflag:s5] =	ssyncset.done $0x0;
	(pc) =	sbr.rel @p0 .LBB2_1-.Ltmp1, $4  }
0x23: {  	[sflag:s5] =	ssyncadd.s32 $0xFFFF8000  }
0x24: {  	[hbm4b:s10+s8] =	stream.strided.scatter [tilespmem:s6], [sflag:$0x1], $0x8000, s9, s8, $0x38;
	[tilespmem:$0x8400] =	vst v63  }
0x25: {  	_ =	swait.ge [sflag:s5], $0x8000  }
0x26: {  	[sflag:s5] =	ssyncset.done $0x0  }
.LBB2_2:
0x27: {  	[sflag:s5] =	ssyncadd.s32 $0xFFFF8000  }
0x28: {  	_ =	sfence.sel $0x180000  }
0x29: {  	[bflag:$0x0] =	sbarrier.arrive $0xFFFF  }
0x2a: {  	p0 =	sne.s32 s0, $0x0;
	_ =	strace $0x90000047  }
0x2b: {  	s0 =	sadd.s32 @!p0 $0x100000, s1;
	[bflag:$0x2] =	sbarrier.arrive $0xFFFF  }
0x2c: {  	[sflag:s0] =	ssyncadd.tile.s32 @!p0 $0x1;
	_ =	shalt  }
.Lfunc_end2:
_tile_overlayer_lowered:
.L_overlay_start_2:
0x2d: {  	(tag) =	ssettag $0x2  }
0x2e: {  	s0 =	rddreg [dreg:$0x0];
	s2 =	stileid.u32  }
0x2f: {  	s1 =	rddreg [dreg:$0x1];
	p0 =	sne.s32 s2, $0x0  }
0x30: {  	s3 =	rddreg [dreg:$0x2];
	[bflag:$0x3] =	sbarrier.arrive $0xFFFF;
	s2 =	simm.s32 @!p0 $0x1C01  }
0x31: {  	[timem:s3], [sflag:s2] =	dma.local @!p0 [hbm:s0], s1  }
0x32: {  	s0 =	simm.s32 @!p0 $0x1  }
0x33: {  	_ =	swait.ge @!p0 [sflag:s0], s1  }
0x34: {  	s1 =	ssub.s32 @!p0 $0x0, s1;
	[sflag:s0] =	ssyncset.done @!p0 $0x0  }
0x35: {  	[sflag:s0] =	ssyncadd.s32 @!p0 s1  }
0x36: {  	[bflag:$0x3] =	sbarrier.arrive $0xFFFF  }
0x37: {  	_ =	shalt  }

</sc_bundles>
